<compile_context>
chip_gen: v7x
topology: tpu7x:2x2x1
jax: 0.10.2.dev20260603
libtpu: 0.0.44.dev20260713+nightly
codegen_flags: <defaults>
</compile_context>

<pallas_src>
import functools
import jax
import jax.numpy as jnp
from jax import lax
from jax.experimental import pallas as pl
from jax.experimental.pallas import tpu as pltpu
from jax.experimental.pallas import tpu_sc as plsc

N_NODES = 10000
N_PAD = 10240
D = 128
N_EDGES = 320000
NC, NS, L = 2, 16, 16
NW = NC * NS
CHUNK = 128
NBLK = 80
E_PER_W = NBLK * CHUNK
E_PAD = NW * E_PER_W
HIST_PER_W = E_PAD // NW
ROWS_PER_TILE = N_PAD // NS

_mesh = plsc.VectorSubcoreMesh(
    core_axis_name="c", subcore_axis_name="s", num_cores=NC, num_subcores=NS)
_SC_PARAMS = pltpu.CompilerParams(needs_layout_passes=False)


@functools.partial(
    pl.kernel,
    mesh=_mesh,
    out_type=jax.ShapeDtypeStruct((NW, N_PAD), jnp.float32),
    compiler_params=_SC_PARAMS,
    scratch_types=[
        pltpu.VMEM((HIST_PER_W,), jnp.int32),
        pltpu.VMEM((N_PAD,), jnp.float32),
    ],
)
def _sc_hist(rowp_hbm, partials_hbm, ebuf, hist):
    c = lax.axis_index("c")
    s = lax.axis_index("s")
    wid = s * NC + c

    def zero_body(k, _):
        hist[pl.ds(k * L, L)] = jnp.zeros((L,), jnp.float32)
        return 0
    lax.fori_loop(0, N_PAD // L, zero_body, 0)

    pltpu.sync_copy(rowp_hbm.at[pl.ds(wid * HIST_PER_W, HIST_PER_W)], ebuf)

    ones = jnp.ones((L,), jnp.float32)

    def hist_body(k, _):
        idx = ebuf[pl.ds(k * L, L)]
        plsc.addupdate_scatter(hist, [idx], ones)
        return 0
    lax.fori_loop(0, HIST_PER_W // L, hist_body, 0)

    pltpu.sync_copy(hist, partials_hbm.at[wid])


def _tc_transform_body(x_ref, w_ref, s_ref, y_ref):
    z = lax.dot_general(x_ref[...], w_ref[...], (((1,), (1,)), ((), ())),
                        preferred_element_type=jnp.float32)
    y_ref[...] = s_ref[...] * z


def _tc_transform(xp, W, s_col):
    bn = 2048
    return pl.pallas_call(
        _tc_transform_body,
        grid=(N_PAD // bn,),
        in_specs=[
            pl.BlockSpec((bn, D), lambda i: (i, 0)),
            pl.BlockSpec((D, D), lambda i: (0, 0)),
            pl.BlockSpec((bn, 1), lambda i: (i, 0)),
        ],
        out_specs=pl.BlockSpec((bn, D), lambda i: (i, 0)),
        out_shape=jax.ShapeDtypeStruct((N_PAD, D), jnp.float32),
    )(xp, W, s_col)


@functools.partial(
    pl.kernel,
    mesh=_mesh,
    out_type=jax.ShapeDtypeStruct((NC, N_PAD, D), jnp.float32),
    compiler_params=_SC_PARAMS,
    scratch_types=[
        pltpu.VMEM_SHARED((N_PAD, D), jnp.float32),
        pltpu.VMEM((CHUNK,), jnp.int32),
        pltpu.VMEM((CHUNK,), jnp.int32),
        pltpu.VMEM((CHUNK, D), jnp.float32),
        pltpu.SemaphoreType.DMA,
    ],
)
def _sc_scatter(y_hbm, rowp_hbm, colp_hbm, g_hbm, acc_sh, row_buf, col_buf,
                msgs, sem):
    c = lax.axis_index("c")
    s = lax.axis_index("s")
    wid = s * NC + c

    def zmsg(k, _):
        i = k // (D // L)
        j = lax.rem(k, D // L)
        msgs[i, pl.ds(j * L, L)] = jnp.zeros((L,), jnp.float32)
        return 0
    lax.fori_loop(0, CHUNK * (D // L), zmsg, 0)

    def zacc(k, _):
        pltpu.sync_copy(msgs,
                        acc_sh.at[pl.ds(s * ROWS_PER_TILE + k * CHUNK, CHUNK)])
        return 0
    lax.fori_loop(0, ROWS_PER_TILE // CHUNK, zacc, 0)
    plsc.subcore_barrier()

    def edge_body(blk, _):
        base = (wid * NBLK + blk) * CHUNK
        pltpu.sync_copy(rowp_hbm.at[pl.ds(base, CHUNK)], row_buf)
        pltpu.sync_copy(colp_hbm.at[pl.ds(base, CHUNK)], col_buf)
        pltpu.async_copy(y_hbm.at[row_buf], msgs, sem).wait()
        pltpu.sync_copy(msgs, acc_sh.at[col_buf], add=True)
        return 0
    lax.fori_loop(0, NBLK, edge_body, 0)
    plsc.subcore_barrier()

    pltpu.sync_copy(acc_sh.at[pl.ds(s * ROWS_PER_TILE, ROWS_PER_TILE)],
                    g_hbm.at[c, pl.ds(s * ROWS_PER_TILE, ROWS_PER_TILE)])


def _tc_final_body(g_ref, y_ref, s_ref, b_ref, out_ref):
    acc = g_ref[0] + g_ref[1] + y_ref[...]
    out_ref[...] = s_ref[...] * acc + b_ref[...]


def _tc_final(G, y, s_col, b2):
    bn = 2048
    return pl.pallas_call(
        _tc_final_body,
        grid=(N_PAD // bn,),
        in_specs=[
            pl.BlockSpec((NC, bn, D), lambda i: (0, i, 0)),
            pl.BlockSpec((bn, D), lambda i: (i, 0)),
            pl.BlockSpec((bn, 1), lambda i: (i, 0)),
            pl.BlockSpec((1, D), lambda i: (0, 0)),
        ],
        out_specs=pl.BlockSpec((bn, D), lambda i: (i, 0)),
        out_shape=jax.ShapeDtypeStruct((N_PAD, D), jnp.float32),
    )(G, y, s_col, b2)


@jax.jit
def kernel(x, edge_index, W, b):
    row = edge_index[0].astype(jnp.int32)
    col = edge_index[1].astype(jnp.int32)
    pad = jnp.full((E_PAD - N_EDGES,), N_NODES, jnp.int32)
    rowp = jnp.concatenate([row, pad])
    colp = jnp.concatenate([col, pad])
    xp = jnp.pad(x, ((0, N_PAD - N_NODES), (0, 0)))

    partials = _sc_hist(rowp)
    deg = partials.sum(axis=0) + 1.0
    s_col = (deg ** -0.5).reshape(N_PAD, 1)

    y = _tc_transform(xp, W, s_col)
    G = _sc_scatter(y, rowp, colp)
    out = _tc_final(G, y, s_col, b.reshape(1, D))
    return out[:N_NODES]

# --- scband reference (transcript-rebuilt; emitter-appended) ---
"""Pipeline reference for scband-gcnconv-55490977464723 (READ-ONLY COPY).

The authoritative reference and input builder live on the scoring server;
editing this copy changes nothing except your own understanding.
"""

import jax, jax.numpy as jnp
import numpy as np

N_NODES = 10000
N_EDGES = 320000
D_IN = 128
D_OUT = 128


def setup_inputs(seed: int = 0) -> dict:
    key = jax.random.key(seed)
    k1, k2, k3, k4 = jax.random.split(key, 4)
    x = jax.random.normal(k1, (N_NODES, D_IN), dtype=jnp.float32)
    edge_index = jax.random.randint(k2, (2, N_EDGES), 0, N_NODES)
    # nn.Linear params: weight [out, in], bias [out]
    bound = 1.0 / np.sqrt(D_IN)
    W = jax.random.uniform(k3, (D_OUT, D_IN), dtype=jnp.float32, minval=-bound, maxval=bound)
    b = jax.random.uniform(k4, (D_OUT,), dtype=jnp.float32, minval=-bound, maxval=bound)
    return {"x": x, "edge_index": edge_index, "W": W, "b": b}


def reference(x, edge_index, W, b):
    num_nodes = x.shape[0]
    loop = jnp.arange(num_nodes, dtype=edge_index.dtype)
    loop_index = jnp.stack([loop, loop], axis=0)
    ei = jnp.concatenate([edge_index, loop_index], axis=1)
    row = ei[0]
    col = ei[1]
    deg = jnp.bincount(row, length=num_nodes).astype(x.dtype)
    deg_inv_sqrt = jnp.where(deg > 0, deg ** -0.5, 0.0)
    norm = deg_inv_sqrt[row] * deg_inv_sqrt[col]
    msgs = norm[:, None] * x[row]
    out = jnp.zeros((num_nodes, x.shape[1]), dtype=x.dtype).at[col].add(msgs)
    out = out @ W.T + b
    return out

if __name__ == "__main__":
    import jax
    _d = setup_inputs()
    print(jax.jit(kernel)(*tuple(_d.values())))

</pallas_src>

<mosaic_0001>
#map = affine_map<(d0, d1) -> (0)>
#map1 = affine_map<(d0, d1) -> (0, 0)>
module attributes {stable_mosaic.version = 14 : i64} {
  func.func @_sc_hist(%arg0: i32, %arg1: i32, %arg2: memref<327680xi32, #tpu.memory_space<hbm>>, %arg3: memref<32x10240xf32, #tpu.memory_space<hbm>>, %arg4: memref<10240xi32, #tpu.memory_space<vmem>>, %arg5: memref<10240xf32, #tpu.memory_space<vmem>>) attributes {dimension_semantics = [#tpu.dimension_semantics<core_parallel>, #tpu.dimension_semantics<subcore_parallel>], iteration_bounds = array<i64: 2, 16>, scalar_prefetch = 0 : i64, scratch_operands = 2 : i64, tpu.core_type = #tpu.core_type<sc_vector_subcore>, window_params = [{transform_indices = #map}, {transform_indices = #map1}]} {
    %mul3A = arith.constant 2 : i32
    %mul3A_0 = arith.muli %arg1, %mul3A : i32
    %add3A = arith.addi %mul3A_0, %arg0 : i32
    %scan3A = arith.constant 0 : i32
    %scan3A_1 = arith.constant 0 : i32
    %scan3A_2 = arith.constant 640 : i32
    %scan3A_3 = arith.addi %scan3A_1, %scan3A_2 : i32
    %scan3A_4 = arith.constant 1 : i32
    %scan3A_5 = scf.for %scan3A_17 = %scan3A_1 to %scan3A_3 step %scan3A_4 iter_args(%scan3A_18 = %scan3A) -> (i32)  : i32 {
      %broadcast_in_dim3A_19 = arith.constant 0.000000e+00 : f32
      %broadcast_in_dim3A_20 = vector.broadcast %broadcast_in_dim3A_19 : f32 to vector<16xf32>
      %mul3A_21 = arith.constant 16 : i32
      %mul3A_22 = arith.muli %scan3A_17, %mul3A_21 : i32
      %swap3A = arith.index_cast %mul3A_22 : i32 to index
      %swap3A_23 = tpu.vector_load %arg5[%swap3A] {strides = array<i32>} : memref<10240xf32, #tpu.memory_space<vmem>>, vector<16xf32>,
      tpu.vector_store %arg5[%swap3A], %broadcast_in_dim3A_20 {strides = array<i32>} : memref<10240xf32, #tpu.memory_space<vmem>>, vector<16xf32>,
      %scan3A_24 = arith.constant 0 : i32
      scf.yield %scan3A_24 : i32
    }
    %scan3A_6 = arith.constant 640 : i32
    %mul3A_7 = arith.constant 10240 : i32
    %mul3A_8 = arith.muli %add3A, %mul3A_7 : i32
    "tpu.region"() ({
      %run_scoped3A = tpu.sem_alloc : memref<!tpu.dma_semaphore, #tpu.memory_space<semaphore_mem>>
      %dma_start3A = tpu.memref_slice %arg2[%mul3A_8] : memref<327680xi32, #tpu.memory_space<hbm>> -> memref<10240xi32, #tpu.memory_space<hbm>>
      %dma_start3A_17 = tpu.memref_slice %arg2[%mul3A_8] : memref<327680xi32, #tpu.memory_space<hbm>> -> memref<10240xi32, #tpu.memory_space<hbm>>
      tpu.enqueue_dma source(%dma_start3A_17 : memref<10240xi32, #tpu.memory_space<hbm>>) target(%arg4 : memref<10240xi32, #tpu.memory_space<vmem>>) target_semaphore(%run_scoped3A : memref<!tpu.dma_semaphore, #tpu.memory_space<semaphore_mem>>)
      %dma_wait3A = tpu.memref_slice %arg2[%mul3A_8] : memref<327680xi32, #tpu.memory_space<hbm>> -> memref<10240xi32, #tpu.memory_space<hbm>>
      %dma_wait3A_18 = tpu.memref_slice %arg2[%mul3A_8] : memref<327680xi32, #tpu.memory_space<hbm>> -> memref<10240xi32, #tpu.memory_space<hbm>>
      tpu.wait_dma2 semaphore(%run_scoped3A : memref<!tpu.dma_semaphore, #tpu.memory_space<semaphore_mem>>) src(%dma_wait3A_18 : memref<10240xi32, #tpu.memory_space<hbm>>) dst(%arg4 : memref<10240xi32, #tpu.memory_space<vmem>>)
      tpu.yield
    }) : () -> ()
    %broadcast_in_dim3A = arith.constant 1.000000e+00 : f32
    %broadcast_in_dim3A_9 = vector.broadcast %broadcast_in_dim3A : f32 to vector<16xf32>
    %scan3A_10 = arith.constant 0 : i32
    %scan3A_11 = arith.constant 0 : i32
    %scan3A_12 = arith.constant 640 : i32
    %scan3A_13 = arith.addi %scan3A_11, %scan3A_12 : i32
    %scan3A_14 = arith.constant 1 : i32
    %scan3A_15 = scf.for %scan3A_17 = %scan3A_11 to %scan3A_13 step %scan3A_14 iter_args(%scan3A_18 = %scan3A_10) -> (i32)  : i32 {
      %mul3A_19 = arith.constant 16 : i32
      %mul3A_20 = arith.muli %scan3A_17, %mul3A_19 : i32
      %get3A = arith.index_cast %mul3A_20 : i32 to index
      %get3A_21 = tpu.vector_load %arg4[%get3A] {strides = array<i32>} : memref<10240xi32, #tpu.memory_space<vmem>>, vector<16xi32>,
      tpu.vector_store_idx %arg5[%get3A_21], %broadcast_in_dim3A_9 {add = true} : memref<10240xf32, #tpu.memory_space<vmem>>[vector<16xi32>], vector<16xf32>,
      %scan3A_22 = arith.constant 0 : i32
      scf.yield %scan3A_22 : i32
    }
    %scan3A_16 = arith.constant 640 : i32
    "tpu.region"() ({
      %run_scoped3A = tpu.sem_alloc : memref<!tpu.dma_semaphore, #tpu.memory_space<semaphore_mem>>
      %dma_start3A = arith.constant 0 : i32
      %dma_start3A_17 = tpu.memref_slice %arg3[%add3A, %dma_start3A] : memref<32x10240xf32, #tpu.memory_space<hbm>> -> memref<1x10240xf32, #tpu.memory_space<hbm>>
      %dma_start3A_18 = tpu.memref_squeeze %dma_start3A_17 : memref<1x10240xf32, #tpu.memory_space<hbm>> -> memref<10240xf32, #tpu.memory_space<hbm>>
      %dma_start3A_19 = arith.constant 0 : i32
      %dma_start3A_20 = tpu.memref_slice %arg3[%add3A, %dma_start3A_19] : memref<32x10240xf32, #tpu.memory_space<hbm>> -> memref<1x10240xf32, #tpu.memory_space<hbm>>
      %dma_start3A_21 = tpu.memref_squeeze %dma_start3A_20 : memref<1x10240xf32, #tpu.memory_space<hbm>> -> memref<10240xf32, #tpu.memory_space<hbm>>
      tpu.enqueue_dma source(%arg5 : memref<10240xf32, #tpu.memory_space<vmem>>) target(%dma_start3A_21 : memref<10240xf32, #tpu.memory_space<hbm>>) target_semaphore(%run_scoped3A : memref<!tpu.dma_semaphore, #tpu.memory_space<semaphore_mem>>)
      %dma_wait3A = arith.constant 0 : i32
      %dma_wait3A_22 = tpu.memref_slice %arg3[%add3A, %dma_wait3A] : memref<32x10240xf32, #tpu.memory_space<hbm>> -> memref<1x10240xf32, #tpu.memory_space<hbm>>
      %dma_wait3A_23 = tpu.memref_squeeze %dma_wait3A_22 : memref<1x10240xf32, #tpu.memory_space<hbm>> -> memref<10240xf32, #tpu.memory_space<hbm>>
      %dma_wait3A_24 = arith.constant 0 : i32
      %dma_wait3A_25 = tpu.memref_slice %arg3[%add3A, %dma_wait3A_24] : memref<32x10240xf32, #tpu.memory_space<hbm>> -> memref<1x10240xf32, #tpu.memory_space<hbm>>
      %dma_wait3A_26 = tpu.memref_squeeze %dma_wait3A_25 : memref<1x10240xf32, #tpu.memory_space<hbm>> -> memref<10240xf32, #tpu.memory_space<hbm>>
      tpu.wait_dma2 semaphore(%run_scoped3A : memref<!tpu.dma_semaphore, #tpu.memory_space<semaphore_mem>>) src(%arg5 : memref<10240xf32, #tpu.memory_space<vmem>>) dst(%dma_wait3A_26 : memref<10240xf32, #tpu.memory_space<hbm>>)
      tpu.yield
    }) : () -> ()
    return
  }
}

#map = affine_map<(d0, d1) -> (0, 0)>
#map1 = affine_map<(d0, d1) -> (0)>
#map2 = affine_map<(d0, d1) -> (0, 0, 0)>
module attributes {stable_mosaic.version = 14 : i64} {
  func.func @_sc_scatter(%arg0: i32, %arg1: i32, %arg2: memref<10240x128xf32, #tpu.memory_space<hbm>>, %arg3: memref<327680xi32, #tpu.memory_space<hbm>>, %arg4: memref<327680xi32, #tpu.memory_space<hbm>>, %arg5: memref<2x10240x128xf32, #tpu.memory_space<hbm>>, %arg6: memref<10240x128xf32, #tpu.memory_space<vmem_shared>>, %arg7: memref<128xi32, #tpu.memory_space<vmem>>, %arg8: memref<128xi32, #tpu.memory_space<vmem>>, %arg9: memref<128x128xf32, #tpu.memory_space<vmem>>, %arg10: memref<!tpu.dma_semaphore, #tpu.memory_space<semaphore_mem>>) attributes {dimension_semantics = [#tpu.dimension_semantics<core_parallel>, #tpu.dimension_semantics<subcore_parallel>], iteration_bounds = array<i64: 2, 16>, scalar_prefetch = 0 : i64, scratch_operands = 5 : i64, tpu.core_type = #tpu.core_type<sc_vector_subcore>, window_params = [{transform_indices = #map}, {transform_indices = #map1}, {transform_indices = #map1}, {transform_indices = #map2}]} {
    %mul3A = arith.constant 2 : i32
    %mul3A_0 = arith.muli %arg1, %mul3A : i32
    %add3A = arith.addi %mul3A_0, %arg0 : i32
    %scan3A = arith.constant 0 : i32
    %scan3A_1 = arith.constant 0 : i32
    %scan3A_2 = arith.constant 1024 : i32
    %scan3A_3 = arith.addi %scan3A_1, %scan3A_2 : i32
    %scan3A_4 = arith.constant 1 : i32
    %scan3A_5 = scf.for %scan3A_26 = %scan3A_1 to %scan3A_3 step %scan3A_4 iter_args(%scan3A_27 = %scan3A) -> (i32)  : i32 {
      %jit3A = arith.constant 8 : i32
      %div3A = arith.divsi %scan3A_26, %jit3A : i32
      %sign3A = arith.constant 0 : i32
      %sign3A_28 = arith.cmpi sgt, %scan3A_26, %sign3A : i32
      %sign3A_29 = arith.extui %sign3A_28 : i1 to i32
      %sign3A_30 = arith.constant 0 : i32
      %sign3A_31 = arith.cmpi slt, %scan3A_26, %sign3A_30 : i32
      %sign3A_32 = arith.extui %sign3A_31 : i1 to i32
      %sign3A_33 = arith.subi %sign3A_29, %sign3A_32 : i32
      %sign3A_34 = arith.constant 0 : i32
      %sign3A_35 = arith.cmpi sgt, %jit3A, %sign3A_34 : i32
      %sign3A_36 = arith.extui %sign3A_35 : i1 to i32
      %sign3A_37 = arith.constant 0 : i32
      %sign3A_38 = arith.cmpi slt, %jit3A, %sign3A_37 : i32
      %sign3A_39 = arith.extui %sign3A_38 : i1 to i32
      %sign3A_40 = arith.subi %sign3A_36, %sign3A_39 : i32
      %ne3A = arith.cmpi ne, %sign3A_33, %sign3A_40 : i32
      %rem3A = arith.remsi %scan3A_26, %jit3A : i32
      %ne3A_41 = arith.constant 0 : i32
      %ne3A_42 = arith.cmpi ne, %rem3A, %ne3A_41 : i32
      %and3A = arith.andi %ne3A, %ne3A_42 : i1
      %sub3A = arith.constant 1 : i32
      %sub3A_43 = arith.subi %div3A, %sub3A : i32
      %select_n3A = arith.select %and3A, %sub3A_43, %div3A : i32
      %rem3A_44 = arith.constant 8 : i32
      %rem3A_45 = arith.remsi %scan3A_26, %rem3A_44 : i32
      %broadcast_in_dim3A = arith.constant 0.000000e+00 : f32
      %broadcast_in_dim3A_46 = vector.broadcast %broadcast_in_dim3A : f32 to vector<16xf32>
      %mul3A_47 = arith.constant 16 : i32
      %mul3A_48 = arith.muli %rem3A_45, %mul3A_47 : i32
      %swap3A = arith.index_cast %select_n3A : i32 to index
      %swap3A_49 = arith.index_cast %mul3A_48 : i32 to index
      %swap3A_50 = tpu.vector_load %arg9[%swap3A, %swap3A_49] {strides = array<i32>} : memref<128x128xf32, #tpu.memory_space<vmem>>, vector<16xf32>,
      tpu.vector_store %arg9[%swap3A, %swap3A_49], %broadcast_in_dim3A_46 {strides = array<i32>} : memref<128x128xf32, #tpu.memory_space<vmem>>, vector<16xf32>,
      %scan3A_51 = arith.constant 0 : i32
      scf.yield %scan3A_51 : i32
    }
    %scan3A_6 = arith.constant 1024 : i32
    %scan3A_7 = arith.constant 0 : i32
    %scan3A_8 = arith.constant 0 : i32
    %scan3A_9 = arith.constant 5 : i32
    %scan3A_10 = arith.addi %scan3A_8, %scan3A_9 : i32
    %scan3A_11 = arith.constant 1 : i32
    %scan3A_12 = scf.for %scan3A_26 = %scan3A_8 to %scan3A_10 step %scan3A_11 iter_args(%scan3A_27 = %scan3A_7) -> (i32)  : i32 {
      %mul3A_28 = arith.constant 640 : i32
      %mul3A_29 = arith.muli %arg1, %mul3A_28 : i32
      %mul3A_30 = arith.constant 128 : i32
      %mul3A_31 = arith.muli %scan3A_26, %mul3A_30 : i32
      %add3A_32 = arith.addi %mul3A_29, %mul3A_31 : i32
      "tpu.region"() ({
        %run_scoped3A = tpu.sem_alloc : memref<!tpu.dma_semaphore, #tpu.memory_space<semaphore_mem>>
        %dma_start3A = arith.constant 0 : i32
        %dma_start3A_34 = tpu.memref_slice %arg6[%add3A_32, %dma_start3A] : memref<10240x128xf32, #tpu.memory_space<vmem_shared>> -> memref<128x128xf32, #tpu.memory_space<vmem_shared>>
        %dma_start3A_35 = arith.constant 0 : i32
        %dma_start3A_36 = tpu.memref_slice %arg6[%add3A_32, %dma_start3A_35] : memref<10240x128xf32, #tpu.memory_space<vmem_shared>> -> memref<128x128xf32, #tpu.memory_space<vmem_shared>>
        tpu.enqueue_dma source(%arg9 : memref<128x128xf32, #tpu.memory_space<vmem>>) target(%dma_start3A_36 : memref<128x128xf32, #tpu.memory_space<vmem_shared>>) target_semaphore(%run_scoped3A : memref<!tpu.dma_semaphore, #tpu.memory_space<semaphore_mem>>)
        %dma_wait3A = arith.constant 0 : i32
        %dma_wait3A_37 = tpu.memref_slice %arg6[%add3A_32, %dma_wait3A] : memref<10240x128xf32, #tpu.memory_space<vmem_shared>> -> memref<128x128xf32, #tpu.memory_space<vmem_shared>>
        %dma_wait3A_38 = arith.constant 0 : i32
        %dma_wait3A_39 = tpu.memref_slice %arg6[%add3A_32, %dma_wait3A_38] : memref<10240x128xf32, #tpu.memory_space<vmem_shared>> -> memref<128x128xf32, #tpu.memory_space<vmem_shared>>
        tpu.wait_dma2 semaphore(%run_scoped3A : memref<!tpu.dma_semaphore, #tpu.memory_space<semaphore_mem>>) src(%arg9 : memref<128x128xf32, #tpu.memory_space<vmem>>) dst(%dma_wait3A_39 : memref<128x128xf32, #tpu.memory_space<vmem_shared>>)
        tpu.yield
      }) : () -> ()
      %scan3A_33 = arith.constant 0 : i32
      scf.yield %scan3A_33 : i32
    }
    %scan3A_13 = arith.constant 5 : i32
    %barrier3A = arith.constant 0 : index
    tpu.barrier barrier_id(%barrier3A)
    %scan3A_14 = arith.constant 0 : i32
    %scan3A_15 = arith.constant 0 : i32
    %scan3A_16 = arith.constant 80 : i32
    %scan3A_17 = arith.addi %scan3A_15, %scan3A_16 : i32
    %scan3A_18 = arith.constant 1 : i32
    %scan3A_19 = scf.for %scan3A_26 = %scan3A_15 to %scan3A_17 step %scan3A_18 iter_args(%scan3A_27 = %scan3A_14) -> (i32)  : i32 {
      %mul3A_28 = arith.constant 80 : i32
      %mul3A_29 = arith.muli %add3A, %mul3A_28 : i32
      %add3A_30 = arith.addi %mul3A_29, %scan3A_26 : i32
      %mul3A_31 = arith.constant 128 : i32
      %mul3A_32 = arith.muli %add3A_30, %mul3A_31 : i32
      "tpu.region"() ({
        %run_scoped3A = tpu.sem_alloc : memref<!tpu.dma_semaphore, #tpu.memory_space<semaphore_mem>>
        %dma_start3A_38 = tpu.memref_slice %arg3[%mul3A_32] : memref<327680xi32, #tpu.memory_space<hbm>> -> memref<128xi32, #tpu.memory_space<hbm>>
        %dma_start3A_39 = tpu.memref_slice %arg3[%mul3A_32] : memref<327680xi32, #tpu.memory_space<hbm>> -> memref<128xi32, #tpu.memory_space<hbm>>
        tpu.enqueue_dma source(%dma_start3A_39 : memref<128xi32, #tpu.memory_space<hbm>>) target(%arg7 : memref<128xi32, #tpu.memory_space<vmem>>) target_semaphore(%run_scoped3A : memref<!tpu.dma_semaphore, #tpu.memory_space<semaphore_mem>>)
        %dma_wait3A_40 = tpu.memref_slice %arg3[%mul3A_32] : memref<327680xi32, #tpu.memory_space<hbm>> -> memref<128xi32, #tpu.memory_space<hbm>>
        %dma_wait3A_41 = tpu.memref_slice %arg3[%mul3A_32] : memref<327680xi32, #tpu.memory_space<hbm>> -> memref<128xi32, #tpu.memory_space<hbm>>
        tpu.wait_dma2 semaphore(%run_scoped3A : memref<!tpu.dma_semaphore, #tpu.memory_space<semaphore_mem>>) src(%dma_wait3A_41 : memref<128xi32, #tpu.memory_space<hbm>>) dst(%arg7 : memref<128xi32, #tpu.memory_space<vmem>>)
        tpu.yield
      }) : () -> ()
      "tpu.region"() ({
        %run_scoped3A = tpu.sem_alloc : memref<!tpu.dma_semaphore, #tpu.memory_space<semaphore_mem>>
        %dma_start3A_38 = tpu.memref_slice %arg4[%mul3A_32] : memref<327680xi32, #tpu.memory_space<hbm>> -> memref<128xi32, #tpu.memory_space<hbm>>
        %dma_start3A_39 = tpu.memref_slice %arg4[%mul3A_32] : memref<327680xi32, #tpu.memory_space<hbm>> -> memref<128xi32, #tpu.memory_space<hbm>>
        tpu.enqueue_dma source(%dma_start3A_39 : memref<128xi32, #tpu.memory_space<hbm>>) target(%arg8 : memref<128xi32, #tpu.memory_space<vmem>>) target_semaphore(%run_scoped3A : memref<!tpu.dma_semaphore, #tpu.memory_space<semaphore_mem>>)
        %dma_wait3A_40 = tpu.memref_slice %arg4[%mul3A_32] : memref<327680xi32, #tpu.memory_space<hbm>> -> memref<128xi32, #tpu.memory_space<hbm>>
        %dma_wait3A_41 = tpu.memref_slice %arg4[%mul3A_32] : memref<327680xi32, #tpu.memory_space<hbm>> -> memref<128xi32, #tpu.memory_space<hbm>>
        tpu.wait_dma2 semaphore(%run_scoped3A : memref<!tpu.dma_semaphore, #tpu.memory_space<semaphore_mem>>) src(%dma_wait3A_41 : memref<128xi32, #tpu.memory_space<hbm>>) dst(%arg8 : memref<128xi32, #tpu.memory_space<vmem>>)
        tpu.yield
      }) : () -> ()
      %dma_start3A = arith.constant 0 : i32
      %dma_start3A_33 = arith.constant 0 : i32
      %dma_start3A_34 = tpu.memref_slice %arg2[%dma_start3A, %dma_start3A_33] : memref<10240x128xf32, #tpu.memory_space<hbm>> -> memref<10240x128xf32, #tpu.memory_space<hbm>>
      tpu.enqueue_indirect_dma source(%dma_start3A_34 : memref<10240x128xf32, #tpu.memory_space<hbm>>) target(%arg9 : memref<128x128xf32, #tpu.memory_space<vmem>>) offsets(%arg7 : memref<128xi32, #tpu.memory_space<vmem>>) semaphore(%arg10 : memref<!tpu.dma_semaphore, #tpu.memory_space<semaphore_mem>>)
      %dma_wait3A = arith.constant 0 : i32
      %dma_wait3A_35 = arith.constant 0 : i32
      %dma_wait3A_36 = tpu.memref_slice %arg2[%dma_wait3A, %dma_wait3A_35] : memref<10240x128xf32, #tpu.memory_space<hbm>> -> memref<10240x128xf32, #tpu.memory_space<hbm>>
      tpu.wait_indirect_dma semaphore(%arg10 : memref<!tpu.dma_semaphore, #tpu.memory_space<semaphore_mem>>) src(%dma_wait3A_36 : memref<10240x128xf32, #tpu.memory_space<hbm>>) dst(%arg9 : memref<128x128xf32, #tpu.memory_space<vmem>>)
      "tpu.region"() ({
        %run_scoped3A = tpu.sem_alloc : memref<!tpu.dma_semaphore, #tpu.memory_space<semaphore_mem>>
        %dma_start3A_38 = arith.constant 0 : i32
        %dma_start3A_39 = arith.constant 0 : i32
        %dma_start3A_40 = tpu.memref_slice %arg6[%dma_start3A_38, %dma_start3A_39] : memref<10240x128xf32, #tpu.memory_space<vmem_shared>> -> memref<10240x128xf32, #tpu.memory_space<vmem_shared>>
        tpu.enqueue_indirect_dma source(%arg9 : memref<128x128xf32, #tpu.memory_space<vmem>>) target(%dma_start3A_40 : memref<10240x128xf32, #tpu.memory_space<vmem_shared>>) offsets(%arg8 : memref<128xi32, #tpu.memory_space<vmem>>) semaphore(%run_scoped3A : memref<!tpu.dma_semaphore, #tpu.memory_space<semaphore_mem>>) {add = true}
        %dma_wait3A_41 = arith.constant 0 : i32
        %dma_wait3A_42 = arith.constant 0 : i32
        %dma_wait3A_43 = tpu.memref_slice %arg6[%dma_wait3A_41, %dma_wait3A_42] : memref<10240x128xf32, #tpu.memory_space<vmem_shared>> -> memref<10240x128xf32, #tpu.memory_space<vmem_shared>>
        tpu.wait_indirect_dma semaphore(%run_scoped3A : memref<!tpu.dma_semaphore, #tpu.memory_space<semaphore_mem>>) src(%arg9 : memref<128x128xf32, #tpu.memory_space<vmem>>) dst(%dma_wait3A_43 : memref<10240x128xf32, #tpu.memory_space<vmem_shared>>)
        tpu.yield
      }) : () -> ()
      %scan3A_37 = arith.constant 0 : i32
      scf.yield %scan3A_37 : i32
    }
    %scan3A_20 = arith.constant 80 : i32
    %barrier3A_21 = arith.constant 0 : index
    tpu.barrier barrier_id(%barrier3A_21)
    %mul3A_22 = arith.constant 640 : i32
    %mul3A_23 = arith.muli %arg1, %mul3A_22 : i32
    %mul3A_24 = arith.constant 640 : i32
    %mul3A_25 = arith.muli %arg1, %mul3A_24 : i32
    "tpu.region"() ({
      %run_scoped3A = tpu.sem_alloc : memref<!tpu.dma_semaphore, #tpu.memory_space<semaphore_mem>>
      %dma_start3A = arith.constant 0 : i32
      %dma_start3A_26 = tpu.memref_slice %arg5[%arg0, %mul3A_25, %dma_start3A] : memref<2x10240x128xf32, #tpu.memory_space<hbm>> -> memref<1x640x128xf32, #tpu.memory_space<hbm>>
      %dma_start3A_27 = tpu.memref_squeeze %dma_start3A_26 : memref<1x640x128xf32, #tpu.memory_space<hbm>> -> memref<640x128xf32, #tpu.memory_space<hbm>>
      %dma_start3A_28 = arith.constant 0 : i32
      %dma_start3A_29 = tpu.memref_slice %arg6[%mul3A_23, %dma_start3A_28] : memref<10240x128xf32, #tpu.memory_space<vmem_shared>> -> memref<640x128xf32, #tpu.memory_space<vmem_shared>>
      tpu.enqueue_dma source(%dma_start3A_29 : memref<640x128xf32, #tpu.memory_space<vmem_shared>>) target(%dma_start3A_27 : memref<640x128xf32, #tpu.memory_space<hbm>>) target_semaphore(%run_scoped3A : memref<!tpu.dma_semaphore, #tpu.memory_space<semaphore_mem>>)
      %dma_wait3A = arith.constant 0 : i32
      %dma_wait3A_30 = tpu.memref_slice %arg5[%arg0, %mul3A_25, %dma_wait3A] : memref<2x10240x128xf32, #tpu.memory_space<hbm>> -> memref<1x640x128xf32, #tpu.memory_space<hbm>>
      %dma_wait3A_31 = tpu.memref_squeeze %dma_wait3A_30 : memref<1x640x128xf32, #tpu.memory_space<hbm>> -> memref<640x128xf32, #tpu.memory_space<hbm>>
      %dma_wait3A_32 = arith.constant 0 : i32
      %dma_wait3A_33 = tpu.memref_slice %arg6[%mul3A_23, %dma_wait3A_32] : memref<10240x128xf32, #tpu.memory_space<vmem_shared>> -> memref<640x128xf32, #tpu.memory_space<vmem_shared>>
      tpu.wait_dma2 semaphore(%run_scoped3A : memref<!tpu.dma_semaphore, #tpu.memory_space<semaphore_mem>>) src(%dma_wait3A_33 : memref<640x128xf32, #tpu.memory_space<vmem_shared>>) dst(%dma_wait3A_31 : memref<640x128xf32, #tpu.memory_space<hbm>>)
      tpu.yield
    }) : () -> ()
    return
  }
}

module attributes {stable_mosaic.version = 14 : i64} {
  func.func @_tc_transform_body(%arg0: i32, %arg1: memref<2048x128xf32, #tpu.memory_space<vmem>>, %arg2: memref<128x128xf32, #tpu.memory_space<vmem>>, %arg3: memref<2048x1xf32, #tpu.memory_space<vmem>>, %arg4: memref<2048x128xf32, #tpu.memory_space<vmem>>) attributes {dimension_semantics = [#tpu.dimension_semantics<arbitrary>], iteration_bounds = array<i64: 5>, scalar_prefetch = 0 : i64, scratch_operands = 0 : i64, tpu.core_type = #tpu.core_type<tc>, window_params = [{transform_indices = @transform_0, window_bounds = array<i64: 2048, 128>}, {pipeline_mode = #tpu.pipeline_mode<synchronous>, transform_indices = @transform_1, window_bounds = array<i64: 128, 128>}, {transform_indices = @transform_2, window_bounds = array<i64: 2048, 1>}, {transform_indices = @transform_3, window_bounds = array<i64: 2048, 128>}]} {
    %get3A = arith.constant 0 : index
    %get3A_0 = arith.constant 0 : index
    %get3A_1 = vector.load %arg1[%get3A, %get3A_0] : memref<2048x128xf32, #tpu.memory_space<vmem>>, vector<2048x128xf32>
    %get3A_2 = arith.constant 0 : index
    %get3A_3 = arith.constant 0 : index
    %get3A_4 = vector.load %arg2[%get3A_2, %get3A_3] : memref<128x128xf32, #tpu.memory_space<vmem>>, vector<128x128xf32>
    %dot_general3A = arith.constant dense<0.000000e+00> : vector<2048x128xf32>
    %dot_general3A_5 = tpu.matmul %get3A_1, %get3A_4, %dot_general3A {dimension_numbers = #tpu.dot_dimension_numbers<[1], [1], [0], [0], [0, 0, 1, 0], [], []>, transpose_lhs_hint = false} : vector<2048x128xf32>, vector<128x128xf32>, vector<2048x128xf32> -> vector<2048x128xf32>
    %get3A_6 = arith.constant 0 : index
    %get3A_7 = arith.constant 0 : index
    %get3A_8 = vector.load %arg3[%get3A_6, %get3A_7] : memref<2048x1xf32, #tpu.memory_space<vmem>>, vector<2048x1xf32>
    %mul3A = vector.broadcast %get3A_8 : vector<2048x1xf32> to vector<2048x128xf32>
    %mul3A_9 = arith.mulf %mul3A, %dot_general3A_5 : vector<2048x128xf32>
    %swap3A = arith.constant 0 : index
    %swap3A_10 = arith.constant 0 : index
    %swap3A_11 = vector.load %arg4[%swap3A, %swap3A_10] : memref<2048x128xf32, #tpu.memory_space<vmem>>, vector<2048x128xf32>
    tpu.vector_store %arg4[%swap3A, %swap3A_10], %mul3A_9 {strides = array<i32>} : memref<2048x128xf32, #tpu.memory_space<vmem>>, vector<2048x128xf32>,
    return
  }
  func.func @transform_0(%arg0: i32) -> (i32, i32) {
    %c0_i32 = arith.constant 0 : i32
    %c0_i32_0 = arith.constant 0 : i32
    return %arg0, %c0_i32 : i32, i32
  }
  func.func @transform_1(%arg0: i32) -> (i32, i32) {
    %c0_i32 = arith.constant 0 : i32
    %c0_i32_0 = arith.constant 0 : i32
    %c0_i32_1 = arith.constant 0 : i32
    return %c0_i32, %c0_i32_0 : i32, i32
  }
  func.func @transform_2(%arg0: i32) -> (i32, i32) {
    %c0_i32 = arith.constant 0 : i32
    %c0_i32_0 = arith.constant 0 : i32
    return %arg0, %c0_i32 : i32, i32
  }
  func.func @transform_3(%arg0: i32) -> (i32, i32) {
    %c0_i32 = arith.constant 0 : i32
    %c0_i32_0 = arith.constant 0 : i32
    return %arg0, %c0_i32 : i32, i32
  }
}

module attributes {stable_mosaic.version = 14 : i64} {
  func.func @_tc_final_body(%arg0: i32, %arg1: memref<2x2048x128xf32, #tpu.memory_space<vmem>>, %arg2: memref<2048x128xf32, #tpu.memory_space<vmem>>, %arg3: memref<2048x1xf32, #tpu.memory_space<vmem>>, %arg4: memref<1x128xf32, #tpu.memory_space<vmem>>, %arg5: memref<2048x128xf32, #tpu.memory_space<vmem>>) attributes {dimension_semantics = [#tpu.dimension_semantics<arbitrary>], iteration_bounds = array<i64: 5>, scalar_prefetch = 0 : i64, scratch_operands = 0 : i64, tpu.core_type = #tpu.core_type<tc>, window_params = [{transform_indices = @transform_0, window_bounds = array<i64: 2, 2048, 128>}, {transform_indices = @transform_1, window_bounds = array<i64: 2048, 128>}, {transform_indices = @transform_2, window_bounds = array<i64: 2048, 1>}, {pipeline_mode = #tpu.pipeline_mode<synchronous>, transform_indices = @transform_3, window_bounds = array<i64: 1, 128>}, {transform_indices = @transform_4, window_bounds = array<i64: 2048, 128>}]} {
    %get3A = arith.constant 0 : index
    %get3A_0 = arith.constant 0 : index
    %get3A_1 = arith.constant 0 : index
    %get3A_2 = vector.load %arg1[%get3A, %get3A_0, %get3A_1] : memref<2x2048x128xf32, #tpu.memory_space<vmem>>, vector<1x2048x128xf32>
    %get3A_3 = vector.shape_cast %get3A_2 : vector<1x2048x128xf32> to vector<2048x128xf32>
    %get3A_4 = arith.constant 1 : index
    %get3A_5 = arith.constant 0 : index
    %get3A_6 = arith.constant 0 : index
    %get3A_7 = vector.load %arg1[%get3A_4, %get3A_5, %get3A_6] : memref<2x2048x128xf32, #tpu.memory_space<vmem>>, vector<1x2048x128xf32>
    %get3A_8 = vector.shape_cast %get3A_7 : vector<1x2048x128xf32> to vector<2048x128xf32>
    %add3A = arith.addf %get3A_3, %get3A_8 : vector<2048x128xf32>
    %get3A_9 = arith.constant 0 : index
    %get3A_10 = arith.constant 0 : index
    %get3A_11 = vector.load %arg2[%get3A_9, %get3A_10] : memref<2048x128xf32, #tpu.memory_space<vmem>>, vector<2048x128xf32>
    %add3A_12 = arith.addf %add3A, %get3A_11 : vector<2048x128xf32>
    %get3A_13 = arith.constant 0 : index
    %get3A_14 = arith.constant 0 : index
    %get3A_15 = vector.load %arg3[%get3A_13, %get3A_14] : memref<2048x1xf32, #tpu.memory_space<vmem>>, vector<2048x1xf32>
    %mul3A = vector.broadcast %get3A_15 : vector<2048x1xf32> to vector<2048x128xf32>
    %mul3A_16 = arith.mulf %mul3A, %add3A_12 : vector<2048x128xf32>
    %get3A_17 = arith.constant 0 : index
    %get3A_18 = arith.constant 0 : index
    %get3A_19 = vector.load %arg4[%get3A_17, %get3A_18] : memref<1x128xf32, #tpu.memory_space<vmem>>, vector<1x128xf32>
    %add3A_20 = vector.broadcast %get3A_19 : vector<1x128xf32> to vector<2048x128xf32>
    %add3A_21 = arith.addf %mul3A_16, %add3A_20 : vector<2048x128xf32>
    %swap3A = arith.constant 0 : index
    %swap3A_22 = arith.constant 0 : index
    %swap3A_23 = vector.load %arg5[%swap3A, %swap3A_22] : memref<2048x128xf32, #tpu.memory_space<vmem>>, vector<2048x128xf32>
    tpu.vector_store %arg5[%swap3A, %swap3A_22], %add3A_21 {strides = array<i32>} : memref<2048x128xf32, #tpu.memory_space<vmem>>, vector<2048x128xf32>,
    return
  }
  func.func @transform_0(%arg0: i32) -> (i32, i32, i32) {
    %c0_i32 = arith.constant 0 : i32
    %c0_i32_0 = arith.constant 0 : i32
    %c0_i32_1 = arith.constant 0 : i32
    return %c0_i32, %arg0, %c0_i32_0 : i32, i32, i32
  }
  func.func @transform_1(%arg0: i32) -> (i32, i32) {
    %c0_i32 = arith.constant 0 : i32
    %c0_i32_0 = arith.constant 0 : i32
    return %arg0, %c0_i32 : i32, i32
  }
  func.func @transform_2(%arg0: i32) -> (i32, i32) {
    %c0_i32 = arith.constant 0 : i32
    %c0_i32_0 = arith.constant 0 : i32
    return %arg0, %c0_i32 : i32, i32
  }
  func.func @transform_3(%arg0: i32) -> (i32, i32) {
    %c0_i32 = arith.constant 0 : i32
    %c0_i32_0 = arith.constant 0 : i32
    %c0_i32_1 = arith.constant 0 : i32
    return %c0_i32, %c0_i32_0 : i32, i32
  }
  func.func @transform_4(%arg0: i32) -> (i32, i32) {
    %c0_i32 = arith.constant 0 : i32
    %c0_i32_0 = arith.constant 0 : i32
    return %arg0, %c0_i32 : i32, i32
  }
}

</mosaic_0001>

<sc_bundles>
// kernel: kernel.6.cloned.1.call-start
scs
__scs_entry_jumppad:
0x0: {  	(pc) =	sbr.rel $0x88, $3  }
0x1: {  	(tag) =	ssettag $0x0;
	lr =	simm.s32 $0x1  }
0x2: {  	[smem:$0x3F9D] =	sst lr;
	_ =	strace $0xD0000000  }
0x3: {  	_ = 	snop  }
0x4: {  	_ = 	snop  }
0x5: {  	_ = 	snop  }
0x6: {  	_ = 	snop  }
0x7: {  	_ = 	snop  }
__scs_overlays_trampoline_lowered:
0x8: {  	[smem:$0x3FAC] =	sst s0  }
0x9: {  	[smem:$0x3FAD] =	sst s1  }
0xa: {  	[smem:$0x3FAE] =	sst s2  }
0xb: {  	[smem:$0x3FAF] =	sst s3  }
0xc: {  	[smem:$0x3FB0] =	sst s4  }
0xd: {  	[smem:$0x3FB1] =	sst s5  }
0xe: {  	[smem:$0x3FB2] =	sst s6  }
0xf: {  	[smem:$0x3FB3] =	sst s7  }
0x10: {  	[smem:$0x3FB4] =	sst s8  }
0x11: {  	[smem:$0x3FB5] =	sst s9;
	s0 =	simm.s32 @!p0 $0x0  }
0x12: {  	s1 =	sld [smem:$0x3F9B];
	s0 =	simm.s32 @p0 $0x1  }
0x13: {  	[smem:$0x3FB6] =	sst s0;
	s0 =	simm.s32 @!p1 $0x0  }
0x14: {  	s2 =	sld [smem:$0x3F9A];
	s0 =	simm.s32 @p1 $0x1  }
0x15: {  	[smem:$0x3FB7] =	sst s0;
	s0 =	simm.s32 @!p2 $0x0  }
0x16: {  	s3 =	sld [smem:$0x3FDB];
	s0 =	simm.s32 @p2 $0x1  }
0x17: {  	s4 =	simm.s32 $0x1BF5;
	[smem:$0x3FB9] =	sst s0  }
0x18: {  	s0 =	sld [smem:$0x3F9C];
	_ =	swait.ge [sflag:s4], $0x0  }
0x19: {  	s7 =	sld [smem:$0x3F9D]  }
0x1a: {  	s8 =	sadd.s32 $0xFFFFE003, lr  }
0x1b: {  	s9 =	sadd.s32 $0xFFFFFEF7, lr;
	s5 =	simm.s32 $0xFFFFFFFF;
	p2 =	slt.u32 s8, $0xFFFFF086  }
0x1c: {  	p1 =	slt.u32 s9, $0xF7A;
	s5 =	simm.s32 @!p2 $0x0  }
0x1d: {  	s5 =	simm.s32 @p1 $0x1;
	p0 =	seq.s32 s7, s2  }
0x1e: {  	s7 =	smul.u32 @!p0 $0xF7A, s2;
	p2 =	seq.s32 @!p0 s5, $0x0  }
0x1f: {  	s9 =	smul.u32 $0xF7A, s1;
	s8 =	simm.s32 @!p0 $0x1BF5;
	p2 =	por !p2, p0  }
0x20: {  	[sflag:s8] =	ssyncset.s32 @!p0 $0xFFFFF086;
	s6 =	sadd.s32 @!p0 s3, s7;
	s7 =	simm.s32 @!p0 $0x108  }
0x21: {  	s3 =	sadd.s32 s3, s9;
	s6 =	sadd.s32 @!p0 $0x88, s6;
	s7 =	simm.s32 @p2 $0x1082  }
0x22: {  	[simem:s7], [sflag:s8] =	dma.local @!p0 [hbm:s6], $0xF7A  }
0x23: {  	s9 =	sor.u32 $0xD0000000, s2;
	s6 =	simm.s32 $0x108;
	_ =	swait.ge @!p0 [sflag:s8], $0x0  }
0x24: {  	s3 =	sadd.s32 $0x88, s3;
	s6 =	simm.s32 @!p1 $0x1082;
	[sflag:s4] =	ssyncset.s32 $0xFFFFF086  }
0x25: {  	[simem:s6], [sflag:s4] =	dma.local [hbm:s3], $0xF7A  }
0x26: {  	[smem:$0x3F9D] =	sst s1;
	(tag) =	ssettag s2;
	_ =	strace s9  }
0x27: {  	s1 =	sld [smem:$0x3FAD]  }
0x28: {  	s2 =	sld [smem:$0x3FAE]  }
0x29: {  	s4 =	sld [smem:$0x3FB0]  }
0x2a: {  	p0 =	seq.s32 s5, $0x0;
	s5 =	sld [smem:$0x3FB1]  }
0x2b: {  	s6 =	sld [smem:$0x3FB2]  }
0x2c: {  	s7 =	sld [smem:$0x3FB3]  }
0x2d: {  	s3 =	simm.s32 $0x108;
	s8 =	sld [smem:$0x3FB4]  }
0x2e: {  	s3 =	simm.s32 @!p0 $0x1082;
	s9 =	sld [smem:$0x3FB5]  }
0x2f: {  	lr =	sadd.s32 s0, s3;
	s0 =	sld [smem:$0x3FAC]  }
0x30: {  	s3 =	sld [smem:$0x3FAF]  }
0x31: {  	[smem:$0x3FB8] =	sst s10  }
0x32: {  	s10 =	sld [smem:$0x3FB6];
	_ =	sdelay $0x3  }
0x33: {  	p0 =	seq.s32 s10, $0x1;
	s10 =	sld [smem:$0x3FB8];
	_ =	sdelay $0x3  }
0x34: {  	[smem:$0x3FB8] =	sst s10  }
0x35: {  	s10 =	sld [smem:$0x3FB7];
	_ =	sdelay $0x3  }
0x36: {  	p1 =	seq.s32 s10, $0x1;
	s10 =	sld [smem:$0x3FB8];
	_ =	sdelay $0x3  }
0x37: {  	[smem:$0x3FB8] =	sst s10  }
0x38: {  	s10 =	sld [smem:$0x3FB9]  }
0x39: {  	_ = 	snop;
	(pc) =	sbr.ind lr, $3  }
0x3a: {  	_ = 	snop  }
0x3b: {  	_ = 	snop  }
0x3c: {  	p2 =	seq.s32 s10, $0x1;
	s10 =	sld [smem:$0x3FB8]  }
0x3d: {  	_ =	shalt  }
0x3e: {  	_ =	shalt  }
0x3f: {  	_ =	shalt  }
0x40: {  	_ =	shalt  }
0x41: {  	_ =	shalt  }
0x42: {  	_ =	shalt  }
0x43: {  	_ =	shalt  }
0x44: {  	_ =	shalt  }
0x45: {  	_ =	shalt  }
0x46: {  	_ =	shalt  }
0x47: {  	_ =	shalt  }
0x48: {  	_ =	shalt  }
0x49: {  	_ =	shalt  }
0x4a: {  	_ =	shalt  }
0x4b: {  	_ =	shalt  }
0x4c: {  	_ =	shalt  }
0x4d: {  	_ =	shalt  }
0x4e: {  	_ =	shalt  }
0x4f: {  	_ =	shalt  }
0x50: {  	_ =	shalt  }
0x51: {  	_ =	shalt  }
0x52: {  	_ =	shalt  }
0x53: {  	_ =	shalt  }
0x54: {  	_ =	shalt  }
0x55: {  	_ =	shalt  }
0x56: {  	_ =	shalt  }
0x57: {  	_ =	shalt  }
0x58: {  	_ =	shalt  }
0x59: {  	_ =	shalt  }
0x5a: {  	_ =	shalt  }
0x5b: {  	_ =	shalt  }
0x5c: {  	_ =	shalt  }
0x5d: {  	_ =	shalt  }
0x5e: {  	_ =	shalt  }
0x5f: {  	_ =	shalt  }
0x60: {  	_ =	shalt  }
0x61: {  	_ =	shalt  }
0x62: {  	_ =	shalt  }
0x63: {  	_ =	shalt  }
0x64: {  	_ =	shalt  }
0x65: {  	_ =	shalt  }
0x66: {  	_ =	shalt  }
0x67: {  	_ =	shalt  }
0x68: {  	_ =	shalt  }
0x69: {  	_ =	shalt  }
0x6a: {  	_ =	shalt  }
0x6b: {  	_ =	shalt  }
0x6c: {  	_ =	shalt  }
0x6d: {  	_ =	shalt  }
0x6e: {  	_ =	shalt  }
0x6f: {  	_ =	shalt  }
0x70: {  	_ =	shalt  }
0x71: {  	_ =	shalt  }
0x72: {  	_ =	shalt  }
0x73: {  	_ =	shalt  }
0x74: {  	_ =	shalt  }
0x75: {  	_ =	shalt  }
0x76: {  	_ =	shalt  }
0x77: {  	_ =	shalt  }
0x78: {  	_ =	shalt  }
0x79: {  	_ =	shalt  }
0x7a: {  	_ =	shalt  }
0x7b: {  	_ =	shalt  }
0x7c: {  	_ =	shalt  }
0x7d: {  	_ =	shalt  }
0x7e: {  	_ =	shalt  }
0x7f: {  	_ =	shalt  }
0x80: {  	_ =	shalt  }
0x81: {  	_ =	shalt  }
0x82: {  	_ =	shalt  }
0x83: {  	_ =	shalt  }
0x84: {  	_ =	shalt  }
0x85: {  	_ =	shalt  }
0x86: {  	_ =	shalt  }
0x87: {  	_ =	shalt  }
.Lfunc_end0:
.L_simem_size_0:
called_computation_lowered:
.L_overlay_start_0:
0x88: {  	s2 =	sld [smem:$0x3FD9]  }
0x89: {  	s3 =	sld [smem:$0x3FFE];
	_ =	sdelay $0x1  }
0x8a: {  	s1 =	srdreg.scid  }
0x8b: {  	s0 =	sand.u32 $0x1, s1  }
0x8c: {  	s17 =	sshll.u32 s0, $0xA;
	s2 =	sadd.s32 s3, s2  }
0x8d: {  	s2 =	sadd.s32 s2, s17  }
0x8e: {  	[smem:$0x3FC4] =	sst s2  }
0x8f: {  	_ = 	snop  }
0x90: {  	s2 =	sld [smem:$0x3FD0];
	(tm) =	ssettm $0x1  }
0x91: {  	s18 =	sld [smem:$0x3FFB];
	_ =	sdelay $0x3  }
0x92: {  	_ =	strace s18  }
0x93: {  	s3 =	sld [smem:$0x3FFC];
	_ =	sdelay $0x3  }
0x94: {  	_ =	strace s3  }
0x95: {  	s3 =	sld [smem:$0x3FFD];
	_ =	sdelay $0x3  }
0x96: {  	_ =	strace s3  }
0x97: {  	_ =	strace $0x8FFFFFFF  }
0x98: {  	s19 =	sld [smem:$0x3FDB];
	_ =	sdelay $0x1  }
0x99: {  	s4 =	simm.s32 $_scs_section_size  }
0x9a: {  	s5 =	simm.s32 $_size__tile_overlayer_lowered;
	s6 =	simm.s32 $_tile_overlayer_lowered  }
0x9b: {  	s22 =	simm.s32 $0x1BFF;
	s21 =	sshll.u32 s6, $0x1;
	s3 =	sadd.s32 s4, s19  }
0x9c: {  	s7 =	simm.s32 $0x0;
	s20 =	sshll.u32 s5, $0x1;
	s5 =	sadd.s32 s21, s3  }
0x9d: {  	[timem:s7], [sflag:s22] =	dma.local [hbm:s5], s20  }
0x9e: {  	_ =	swait.ge [sflag:s22], s20  }
0x9f: {  	s4 =	ssub.s32 $0x0, s20;
	[sflag:s22] =	ssyncset.done $0x0  }
0xa0: {  	[sflag:s22] =	ssyncadd.s32 s4;
	_ =	sdelay $0x1  }
0xa1: {  	s23 =	simm.s32 $0x1B8B  }
0xa2: {  	_ =	swait.ge [sflag:s23], $0x1  }
0xa3: {  	[sflag:s23] =	ssyncset.done $0x0  }
0xa4: {  	s25 =	simm.s32 $0x1B8E;
	s24 =	sld [smem:$0x3FFE];
	[sflag:s23] =	ssyncadd.s32 $0xFFFFFFFF  }
0xa5: {  	s26 =	simm.s32 $execute0_lowered;
	[smem:$0x3FD2] =	sst s25  }
0xa6: {  	s5 =	sshll.u32 s26, $0x1;
	_ =	strace $0x80000046;
	[dreg:$0x1] =	wrdreg $0xFFFFFFFF  }
0xa7: {  	s28 =	simm.s32 $_size_execute0_lowered;
	s3 =	sadd.s32 s3, s5;
	[dreg:$0x0] =	wrdreg $0x0  }
0xa8: {  	s5 =	sshll.u32 s28, $0x1;
	[dreg:$0x2] =	wrdreg s3  }
0xa9: {  	[dreg:$0x3] =	wrdreg s5  }
0xaa: {  	[dreg:$0x4] =	wrdreg $0xC0  }
0xab: {  	_ =	task [dreg:s7], $0x5FFFF  }
0xac: {  	[dreg:$0x1] =	wrdreg $0xFFFFFFFF  }
0xad: {  	[dreg:$0x0] =	wrdreg $0x60  }
0xae: {  	[dreg:$0x2] =	wrdreg s2  }
0xaf: {  	[dreg:$0x3] =	wrdreg s24  }
0xb0: {  	[dreg:$0x4] =	wrdreg $0x9  }
0xb1: {  	_ =	task.clear_ibuf [dreg:s7], $0x5FFFF;
	_ =	strace $0x90000046  }
0xb2: {  	s29 =	simm.s32 $0x9;
	_ =	strace $0x80000048  }
0xb3: {  	_ =	swait.ge [sflag:s29], $0x1  }
0xb4: {  	[sflag:s29] =	ssyncadd.s32 $0xFFFFFFFF  }
0xb5: {  	_ =	strace $0x90000048  }
0xb6: {  	_ =	sfence  }
0xb7: {  	s30 =	sld [smem:$0x0];
	_ =	sdelay $0x2  }
0xb8: {  	s31 =	sshll.u32 s1, $0xD;
	s1 =	sshrl.u32 s1, $0x2  }
0xb9: {  	s3 =	sand.u32 $0x4000, s31;
	s1 =	sadd.s32 s1, s30  }
0xba: {  	s0 =	sor.u32 s3, s0;
	s1 =	sshll.u32 s1, $0x11  }
0xbb: {  	s0 =	sor.u32 s1, s0  }
0xbc: {  	s0 =	sadd.s32 $0x8F2B, s0  }
0xbd: {  	[sflag:s0] =	ssyncadd.remote.s32 $0x1  }
0xbe: {  	_ =	sfence.sel $0xFFFF  }
0xbf: {  	[dreg:$0x0] =	wrdreg $0xFFFFFFFF;
	(pc) =	sbr.abs _section_cstart, $3  }
0xc0: {  	[dreg:$0x1] =	wrdreg $0xFFFFFFFF  }
0xc1: {  	_ =	task.clear_ibuf [dreg:s7], $0x2FFFF;
	_ =	strace $0x9FFFFFFF  }
0xc2: {  	(tm) =	ssettm $0x7FFFFFFF  }
0xc3: {  	_ =	shalt  }
tec
execute0_lowered:
.L_overlay_start_1:
0x0: {  	(tag) =	ssettag $0x1  }
0x1: {  	s3 =	rddreg [dreg:$0x0];
	s1 =	srdreg.scid  }
0x2: {  	s0 =	stileid.u32;
	s4 =	rddreg [dreg:$0x1];
	s9 =	simm.s32 $0x400  }
0x3: {  	s5 =	sand.u32 $0x1, s1;
	s2 =	sshll.u32 s0, $0x1;
	s1 =	rddreg [dreg:$0x2]  }
0x4: {  	s7 =	sshrl.u32 s0, $0x2;
	s6 =	sor.u32 s5, s2;
	s2 =	simm.s32 $0x0  }
0x5: {  	s7 =	smul.u32 $0x14000, s7;
	s5 =	ssub.s32 $0x2, s5;
	s8 =	sshll.u32 s6, $0x7  }
0x6: {  	[smem:$0x7FF] =	sst s2;
	s6 =	smul.u32 $0x500, s6;
	s8 =	sand.u32 $0x380, s8  }
0x7: {  	s31 =	sshrl.u32 s5, $0x1;
	_ =	strace $0x80000047;
	s7 =	sor.u32 s7, s8  }
0x8: {  	s5 =	ssub.s32 s5, s31;
	s3 =	sadd.s32 s3, s6;
	s7 =	sshrl.u32 s7, $0x3  }
0x9: {  	s5 =	smax.u32 s5, $0x1;
	s6 =	simm.s32 $0x1;
	s4 =	sadd.s32 s7, s4  }
0xa: {  	v0 =	vimm.f32 $0.0e+00;
	v1 =	vimm.f32 $1.000000000e+00;
	s8 =	simm.s32 $0x80;
	s7 =	simm.s32 $0x2800;
	s4 =	sadd.s32 $0xA00, s4  }
.LBB2_1:
0xb: {  	s10 =	simm.s32 $0x40;
	s11 =	simm.s32 $0x0  }
.LBB2_2:
0xc: {  	p0 =	sne.s32 s10, $0x9FC0;
	[tilespmem:s11+$0x2800] =	vst v0;
	s11 =	smov.u32 s10;
	s10 =	sadd.s32 $0x40, s10  }
.Ltmp0:
0xd: {  	(pc) =	sbr.rel @p0 .LBB2_2-.Ltmp0, $2  }
0xe: {  	_ =	sdelay $0x2  }
0xf: {  	s11 =	sshra.s32 s11, $0x2  }
0x10: {  	[tilespmem:s11+$0x2800] =	vst v0;
	s10 =	simm.s32 $0x0  }
0x11: {  	[tilespmem:s10], [sflag:$0x1] =	stream.linear.gather [hbm4b:s3+s10], $0x2800, $0x38;
	[tilespmem:$0x5000] =	vst v63  }
0x12: {  	_ =	swait.ge [sflag:s6], $0x2800  }
0x13: {  	[sflag:s6] =	ssyncset.done $0x0  }
0x14: {  	s11 =	simm.s32 $0x0;
	s10 =	simm.s32 $0x40;
	[sflag:s6] =	ssyncadd.s32 $0xFFFFD800  }
.LBB2_4:
0x15: {  	p0 =	sne.s32 s10, $0x9FC0;
	v2 =	vld [tilespmem:s11+$0x0];
	_ =	sdelay $0x3  }
.Ltmp1:
0x16: {  	(pc) =	sbr.rel @p0 .LBB2_4-.Ltmp1, $2  }
0x17: {  	_ =	sdelay $0x2  }
0x18: {  	s11 =	sshra.s32 s10, $0x2;
	s10 =	sadd.s32 $0x40, s10;
	[tilespmem:v2+s7+$0x0] =	vst.idx.add.f32.msk $0xffff, v1  }
0x19: {  	v2 =	vld [tilespmem:s11+$0x0];
	_ =	sdelay $0x5  }
0x1a: {  	s2 =	sadd.s32 $0x1, s2  }
0x1b: {  	p0 =	sne.s32 s2, s5  }
.Ltmp2:
0x1c: {  	[tilespmem:v2+s7+$0x0] =	vst.idx.add.f32.msk $0xffff, v1;
	(pc) =	sbr.rel @p0 .LBB2_1-.Ltmp2, $4  }
0x1d: {  	[hbm4b:s4+s8] =	stream.strided.scatter [tilespmem:s7], [sflag:$0x1], $0x2800, s9, s8, $0x38;
	[tilespmem:$0x5000] =	vst v63  }
0x1e: {  	_ =	swait.ge [sflag:s6], $0x2800  }
0x1f: {  	[sflag:s6] =	ssyncset.done $0x0  }
0x20: {  	[sflag:s6] =	ssyncadd.s32 $0xFFFFD800  }
0x21: {  	_ =	sfence.sel $0x180000  }
0x22: {  	[bflag:$0x0] =	sbarrier.arrive $0xFFFF  }
0x23: {  	p0 =	sne.s32 s0, $0x0;
	_ =	strace $0x90000047  }
0x24: {  	s0 =	sadd.s32 @!p0 $0x100000, s1;
	[bflag:$0x2] =	sbarrier.arrive $0xFFFF  }
0x25: {  	[sflag:s0] =	ssyncadd.tile.s32 @!p0 $0x1;
	_ =	shalt  }
.Lfunc_end2:
_tile_overlayer_lowered:
.L_overlay_start_2:
0x26: {  	(tag) =	ssettag $0x2  }
0x27: {  	s0 =	rddreg [dreg:$0x0];
	s2 =	stileid.u32  }
0x28: {  	s1 =	rddreg [dreg:$0x1];
	p0 =	sne.s32 s2, $0x0  }
0x29: {  	s3 =	rddreg [dreg:$0x2];
	[bflag:$0x3] =	sbarrier.arrive $0xFFFF;
	s2 =	simm.s32 @!p0 $0x1C01  }
0x2a: {  	[timem:s3], [sflag:s2] =	dma.local @!p0 [hbm:s0], s1  }
0x2b: {  	s0 =	simm.s32 @!p0 $0x1  }
0x2c: {  	_ =	swait.ge @!p0 [sflag:s0], s1  }
0x2d: {  	s1 =	ssub.s32 @!p0 $0x0, s1;
	[sflag:s0] =	ssyncset.done @!p0 $0x0  }
0x2e: {  	[sflag:s0] =	ssyncadd.s32 @!p0 s1  }
0x2f: {  	[bflag:$0x3] =	sbarrier.arrive $0xFFFF  }
0x30: {  	_ =	shalt  }

// kernel: kernel.9.cloned.1.call-start
scs
__scs_entry_jumppad:
0x0: {  	(pc) =	sbr.rel $0x88, $3  }
0x1: {  	(tag) =	ssettag $0x0;
	lr =	simm.s32 $0x1  }
0x2: {  	[smem:$0x3F9D] =	sst lr;
	_ =	strace $0xD0000000  }
0x3: {  	_ = 	snop  }
0x4: {  	_ = 	snop  }
0x5: {  	_ = 	snop  }
0x6: {  	_ = 	snop  }
0x7: {  	_ = 	snop  }
__scs_overlays_trampoline_lowered:
0x8: {  	[smem:$0x3FAC] =	sst s0  }
0x9: {  	[smem:$0x3FAD] =	sst s1  }
0xa: {  	[smem:$0x3FAE] =	sst s2  }
0xb: {  	[smem:$0x3FAF] =	sst s3  }
0xc: {  	[smem:$0x3FB0] =	sst s4  }
0xd: {  	[smem:$0x3FB1] =	sst s5  }
0xe: {  	[smem:$0x3FB2] =	sst s6  }
0xf: {  	[smem:$0x3FB3] =	sst s7  }
0x10: {  	[smem:$0x3FB4] =	sst s8  }
0x11: {  	[smem:$0x3FB5] =	sst s9;
	s0 =	simm.s32 @!p0 $0x0  }
0x12: {  	s1 =	sld [smem:$0x3F9B];
	s0 =	simm.s32 @p0 $0x1  }
0x13: {  	[smem:$0x3FB6] =	sst s0;
	s0 =	simm.s32 @!p1 $0x0  }
0x14: {  	s2 =	sld [smem:$0x3F9A];
	s0 =	simm.s32 @p1 $0x1  }
0x15: {  	[smem:$0x3FB7] =	sst s0;
	s0 =	simm.s32 @!p2 $0x0  }
0x16: {  	s3 =	sld [smem:$0x3FDB];
	s0 =	simm.s32 @p2 $0x1  }
0x17: {  	s4 =	simm.s32 $0x1BF5;
	[smem:$0x3FB9] =	sst s0  }
0x18: {  	s0 =	sld [smem:$0x3F9C];
	_ =	swait.ge [sflag:s4], $0x0  }
0x19: {  	s7 =	sld [smem:$0x3F9D]  }
0x1a: {  	s8 =	sadd.s32 $0xFFFFE003, lr  }
0x1b: {  	s9 =	sadd.s32 $0xFFFFFEF7, lr;
	s5 =	simm.s32 $0xFFFFFFFF;
	p2 =	slt.u32 s8, $0xFFFFF086  }
0x1c: {  	p1 =	slt.u32 s9, $0xF7A;
	s5 =	simm.s32 @!p2 $0x0  }
0x1d: {  	s5 =	simm.s32 @p1 $0x1;
	p0 =	seq.s32 s7, s2  }
0x1e: {  	s7 =	smul.u32 @!p0 $0xF7A, s2;
	p2 =	seq.s32 @!p0 s5, $0x0  }
0x1f: {  	s9 =	smul.u32 $0xF7A, s1;
	s8 =	simm.s32 @!p0 $0x1BF5;
	p2 =	por !p2, p0  }
0x20: {  	[sflag:s8] =	ssyncset.s32 @!p0 $0xFFFFF086;
	s6 =	sadd.s32 @!p0 s3, s7;
	s7 =	simm.s32 @!p0 $0x108  }
0x21: {  	s3 =	sadd.s32 s3, s9;
	s6 =	sadd.s32 @!p0 $0x88, s6;
	s7 =	simm.s32 @p2 $0x1082  }
0x22: {  	[simem:s7], [sflag:s8] =	dma.local @!p0 [hbm:s6], $0xF7A  }
0x23: {  	s9 =	sor.u32 $0xD0000000, s2;
	s6 =	simm.s32 $0x108;
	_ =	swait.ge @!p0 [sflag:s8], $0x0  }
0x24: {  	s3 =	sadd.s32 $0x88, s3;
	s6 =	simm.s32 @!p1 $0x1082;
	[sflag:s4] =	ssyncset.s32 $0xFFFFF086  }
0x25: {  	[simem:s6], [sflag:s4] =	dma.local [hbm:s3], $0xF7A  }
0x26: {  	[smem:$0x3F9D] =	sst s1;
	(tag) =	ssettag s2;
	_ =	strace s9  }
0x27: {  	s1 =	sld [smem:$0x3FAD]  }
0x28: {  	s2 =	sld [smem:$0x3FAE]  }
0x29: {  	s4 =	sld [smem:$0x3FB0]  }
0x2a: {  	p0 =	seq.s32 s5, $0x0;
	s5 =	sld [smem:$0x3FB1]  }
0x2b: {  	s6 =	sld [smem:$0x3FB2]  }
0x2c: {  	s7 =	sld [smem:$0x3FB3]  }
0x2d: {  	s3 =	simm.s32 $0x108;
	s8 =	sld [smem:$0x3FB4]  }
0x2e: {  	s3 =	simm.s32 @!p0 $0x1082;
	s9 =	sld [smem:$0x3FB5]  }
0x2f: {  	lr =	sadd.s32 s0, s3;
	s0 =	sld [smem:$0x3FAC]  }
0x30: {  	s3 =	sld [smem:$0x3FAF]  }
0x31: {  	[smem:$0x3FB8] =	sst s10  }
0x32: {  	s10 =	sld [smem:$0x3FB6];
	_ =	sdelay $0x3  }
0x33: {  	p0 =	seq.s32 s10, $0x1;
	s10 =	sld [smem:$0x3FB8];
	_ =	sdelay $0x3  }
0x34: {  	[smem:$0x3FB8] =	sst s10  }
0x35: {  	s10 =	sld [smem:$0x3FB7];
	_ =	sdelay $0x3  }
0x36: {  	p1 =	seq.s32 s10, $0x1;
	s10 =	sld [smem:$0x3FB8];
	_ =	sdelay $0x3  }
0x37: {  	[smem:$0x3FB8] =	sst s10  }
0x38: {  	s10 =	sld [smem:$0x3FB9]  }
0x39: {  	_ = 	snop;
	(pc) =	sbr.ind lr, $3  }
0x3a: {  	_ = 	snop  }
0x3b: {  	_ = 	snop  }
0x3c: {  	p2 =	seq.s32 s10, $0x1;
	s10 =	sld [smem:$0x3FB8]  }
0x3d: {  	_ =	shalt  }
0x3e: {  	_ =	shalt  }
0x3f: {  	_ =	shalt  }
0x40: {  	_ =	shalt  }
0x41: {  	_ =	shalt  }
0x42: {  	_ =	shalt  }
0x43: {  	_ =	shalt  }
0x44: {  	_ =	shalt  }
0x45: {  	_ =	shalt  }
0x46: {  	_ =	shalt  }
0x47: {  	_ =	shalt  }
0x48: {  	_ =	shalt  }
0x49: {  	_ =	shalt  }
0x4a: {  	_ =	shalt  }
0x4b: {  	_ =	shalt  }
0x4c: {  	_ =	shalt  }
0x4d: {  	_ =	shalt  }
0x4e: {  	_ =	shalt  }
0x4f: {  	_ =	shalt  }
0x50: {  	_ =	shalt  }
0x51: {  	_ =	shalt  }
0x52: {  	_ =	shalt  }
0x53: {  	_ =	shalt  }
0x54: {  	_ =	shalt  }
0x55: {  	_ =	shalt  }
0x56: {  	_ =	shalt  }
0x57: {  	_ =	shalt  }
0x58: {  	_ =	shalt  }
0x59: {  	_ =	shalt  }
0x5a: {  	_ =	shalt  }
0x5b: {  	_ =	shalt  }
0x5c: {  	_ =	shalt  }
0x5d: {  	_ =	shalt  }
0x5e: {  	_ =	shalt  }
0x5f: {  	_ =	shalt  }
0x60: {  	_ =	shalt  }
0x61: {  	_ =	shalt  }
0x62: {  	_ =	shalt  }
0x63: {  	_ =	shalt  }
0x64: {  	_ =	shalt  }
0x65: {  	_ =	shalt  }
0x66: {  	_ =	shalt  }
0x67: {  	_ =	shalt  }
0x68: {  	_ =	shalt  }
0x69: {  	_ =	shalt  }
0x6a: {  	_ =	shalt  }
0x6b: {  	_ =	shalt  }
0x6c: {  	_ =	shalt  }
0x6d: {  	_ =	shalt  }
0x6e: {  	_ =	shalt  }
0x6f: {  	_ =	shalt  }
0x70: {  	_ =	shalt  }
0x71: {  	_ =	shalt  }
0x72: {  	_ =	shalt  }
0x73: {  	_ =	shalt  }
0x74: {  	_ =	shalt  }
0x75: {  	_ =	shalt  }
0x76: {  	_ =	shalt  }
0x77: {  	_ =	shalt  }
0x78: {  	_ =	shalt  }
0x79: {  	_ =	shalt  }
0x7a: {  	_ =	shalt  }
0x7b: {  	_ =	shalt  }
0x7c: {  	_ =	shalt  }
0x7d: {  	_ =	shalt  }
0x7e: {  	_ =	shalt  }
0x7f: {  	_ =	shalt  }
0x80: {  	_ =	shalt  }
0x81: {  	_ =	shalt  }
0x82: {  	_ =	shalt  }
0x83: {  	_ =	shalt  }
0x84: {  	_ =	shalt  }
0x85: {  	_ =	shalt  }
0x86: {  	_ =	shalt  }
0x87: {  	_ =	shalt  }
.Lfunc_end0:
.L_simem_size_0:
called_computation.1_lowered:
.L_overlay_start_0:
0x88: {  	s2 =	sld [smem:$0x3FD9]  }
0x89: {  	s3 =	sld [smem:$0x3FFE];
	_ =	sdelay $0x1  }
0x8a: {  	s1 =	srdreg.scid  }
0x8b: {  	s0 =	sand.u32 $0x1, s1  }
0x8c: {  	s17 =	sshll.u32 s0, $0xA;
	s2 =	sadd.s32 s3, s2  }
0x8d: {  	s2 =	sadd.s32 s2, s17  }
0x8e: {  	[smem:$0x3FC4] =	sst s2  }
0x8f: {  	_ = 	snop  }
0x90: {  	s2 =	sld [smem:$0x3FD0];
	(tm) =	ssettm $0x1  }
0x91: {  	s18 =	sld [smem:$0x3FFB];
	_ =	sdelay $0x3  }
0x92: {  	_ =	strace s18  }
0x93: {  	s3 =	sld [smem:$0x3FFC];
	_ =	sdelay $0x3  }
0x94: {  	_ =	strace s3  }
0x95: {  	s3 =	sld [smem:$0x3FFD];
	_ =	sdelay $0x3  }
0x96: {  	_ =	strace s3  }
0x97: {  	_ =	strace $0x8FFFFFFF  }
0x98: {  	s19 =	sld [smem:$0x3FDB];
	_ =	sdelay $0x1  }
0x99: {  	s4 =	simm.s32 $_scs_section_size  }
0x9a: {  	s5 =	simm.s32 $_size__tile_overlayer_lowered;
	s6 =	simm.s32 $_tile_overlayer_lowered  }
0x9b: {  	s22 =	simm.s32 $0x1BFF;
	s21 =	sshll.u32 s6, $0x1;
	s3 =	sadd.s32 s4, s19  }
0x9c: {  	s7 =	simm.s32 $0x0;
	s20 =	sshll.u32 s5, $0x1;
	s5 =	sadd.s32 s21, s3  }
0x9d: {  	[timem:s7], [sflag:s22] =	dma.local [hbm:s5], s20  }
0x9e: {  	_ =	swait.ge [sflag:s22], s20  }
0x9f: {  	s4 =	ssub.s32 $0x0, s20;
	[sflag:s22] =	ssyncset.done $0x0  }
0xa0: {  	[sflag:s22] =	ssyncadd.s32 s4;
	_ =	sdelay $0x1  }
0xa1: {  	s23 =	simm.s32 $0x1B8B  }
0xa2: {  	_ =	swait.ge [sflag:s23], $0x1  }
0xa3: {  	[sflag:s23] =	ssyncset.done $0x0  }
0xa4: {  	s25 =	simm.s32 $0x1B8E;
	s24 =	sld [smem:$0x3FFE];
	[sflag:s23] =	ssyncadd.s32 $0xFFFFFFFF  }
0xa5: {  	s26 =	simm.s32 $execute0_lowered;
	[smem:$0x3FD2] =	sst s25  }
0xa6: {  	s5 =	sshll.u32 s26, $0x1;
	_ =	strace $0x80000049;
	[dreg:$0x1] =	wrdreg $0xFFFFFFFF  }
0xa7: {  	s28 =	simm.s32 $_size_execute0_lowered;
	s3 =	sadd.s32 s3, s5;
	[dreg:$0x0] =	wrdreg $0x0  }
0xa8: {  	s5 =	sshll.u32 s28, $0x1;
	[dreg:$0x2] =	wrdreg s3  }
0xa9: {  	[dreg:$0x3] =	wrdreg s5  }
0xaa: {  	[dreg:$0x4] =	wrdreg $0xC0  }
0xab: {  	_ =	task [dreg:s7], $0x5FFFF  }
0xac: {  	[dreg:$0x1] =	wrdreg $0xFFFFFFFF  }
0xad: {  	[dreg:$0x0] =	wrdreg $0x60  }
0xae: {  	[dreg:$0x2] =	wrdreg s24  }
0xaf: {  	[dreg:$0x3] =	wrdreg s2  }
0xb0: {  	[dreg:$0x4] =	wrdreg $0x0  }
0xb1: {  	[dreg:$0x5] =	wrdreg $0x9  }
0xb2: {  	_ =	task.clear_ibuf [dreg:s7], $0x6FFFF;
	_ =	strace $0x90000049  }
0xb3: {  	s29 =	simm.s32 $0x9;
	_ =	strace $0x8000004B  }
0xb4: {  	_ =	swait.ge [sflag:s29], $0x1  }
0xb5: {  	[sflag:s29] =	ssyncadd.s32 $0xFFFFFFFF  }
0xb6: {  	_ =	strace $0x9000004B  }
0xb7: {  	_ =	sfence  }
0xb8: {  	s30 =	sld [smem:$0x0];
	_ =	sdelay $0x2  }
0xb9: {  	s31 =	sshll.u32 s1, $0xD;
	s1 =	sshrl.u32 s1, $0x2  }
0xba: {  	s3 =	sand.u32 $0x4000, s31;
	s1 =	sadd.s32 s1, s30  }
0xbb: {  	s0 =	sor.u32 s3, s0;
	s1 =	sshll.u32 s1, $0x11  }
0xbc: {  	s0 =	sor.u32 s1, s0  }
0xbd: {  	s0 =	sadd.s32 $0x8F2B, s0  }
0xbe: {  	[sflag:s0] =	ssyncadd.remote.s32 $0x1  }
0xbf: {  	_ =	sfence.sel $0xFFFF  }
0xc0: {  	[dreg:$0x0] =	wrdreg $0xFFFFFFFF;
	(pc) =	sbr.abs _section_cstart, $3  }
0xc1: {  	[dreg:$0x1] =	wrdreg $0xFFFFFFFF  }
0xc2: {  	_ =	task.clear_ibuf [dreg:s7], $0x2FFFF;
	_ =	strace $0x9FFFFFFF  }
0xc3: {  	(tm) =	ssettm $0x7FFFFFFF  }
tec
execute0_lowered:
.L_overlay_start_1:
0x0: {  	(tag) =	ssettag $0x1  }
0x1: {  	s5 =	rddreg [dreg:$0x0]  }
0x2: {  	s12 =	rddreg [dreg:$0x1];
	s0 =	stileid.u32  }
0x3: {  	s1 =	srdreg.scid;
	s2 =	rddreg [dreg:$0x2];
	s3 =	simm.s32 $0x0  }
0x4: {  	s16 =	simm.s32 $0x14000;
	s17 =	simm.s32 $0x14080;
	s18 =	simm.s32 $0x80  }
0x5: {  	s19 =	simm.s32 $0x1;
	s20 =	simm.s32 $0x0;
	s13 =	smul.u32 $0xA00, s0  }
0x6: {  	s8 =	sand.u32 $0x1, s1;
	s1 =	rddreg [dreg:$0x3];
	s7 =	smul.u32 $0x14000, s0  }
0x7: {  	[smem:$0x7FF] =	sst s3;
	s4 =	sadd.s32 $0x14A00, s5;
	s9 =	smul.u32 $0x50000, s0  }
0x8: {  	s6 =	smul.u32 $0x140000, s8;
	_ =	strace $0x8000004A;
	s31 =	ssub.s32 $0x2, s8  }
0x9: {  	s15 =	smul.u32 $0x500, s8;
	s14 =	sadd.s32 s13, s5;
	s10 =	sshrl.u32 s31, $0x1  }
0xa: {  	s9 =	sshrl.u32 s9, $0x2;
	s13 =	sadd.s32 s13, s12;
	s6 =	sadd.s32 s7, s6  }
0xb: {  	s7 =	ssub.s32 s31, s10;
	s14 =	sadd.s32 s15, s14;
	s13 =	sadd.s32 s15, s13  }
0xc: {  	s15 =	simm.s32 $0x2;
	s6 =	sshrl.u32 s6, $0x3;
	s7 =	smax.u32 s7, $0x1  }
0xd: {  	s12 =	sadd.s32 $0xAA00, s14;
	s6 =	sadd.s32 s6, s5;
	s5 =	sadd.s32 s9, s2  }
0xe: {  	s14 =	simm.s32 $0x14100;
	s6 =	sadd.s32 $0x3CA00, s6;
	s8 =	sadd.s32 $0x4000, s5  }
0xf: {  	v0 =	vimm.f32 $0.0e+00;
	s9 =	sadd.s32 $0x8000, s5;
	s10 =	sadd.s32 $0xC000, s5;
	s11 =	sadd.s32 $0x10000, s5  }
.LBB2_1:
0x10: {  	s21 =	sand.u32 $0xFE00, s3  }
0x11: {  	s22 =	sand.u32 $0x70, s3;
	s23 =	sshrl.u32 s21, $0x2  }
0x12: {  	s21 =	simm.s32 $0x40;
	s23 =	sor.u32 s22, s23;
	s22 =	simm.s32 $0x0  }
.LBB2_2:
0x13: {  	p0 =	sne.s32 s21, $0xFFC0  }
0x14: {  	[tilespmem:s23+$0x14100] =	vst v0;
	s22 =	sadd.s32 $0x10, s22;
	s23 =	smov.u32 s21;
	s21 =	sadd.s32 $0x40, s21  }
.Ltmp0:
0x15: {  	(pc) =	sbr.rel @p0 .LBB2_2-.Ltmp0, $4  }
0x16: {  	_ = 	snop  }
0x17: {  	s23 =	sand.u32 $0xFE00, s23  }
0x18: {  	s24 =	sand.u32 $0x70, s22;
	s23 =	sshrl.u32 s23, $0x2  }
0x19: {  	s23 =	sor.u32 s24, s23  }
0x1a: {  	[tilespmem:s23+$0x14100] =	vst v0  }
0x1b: {  	[spmem:s5] =	stream.linear.scatter [tilespmem:s14], [sflag:$0x2], $0x4000, $0x38;
	[tilespmem:$0x18100] =	vst v63  }
0x1c: {  	_ =	swait.ge [sflag:s15], $0x4000  }
0x1d: {  	[sflag:s15] =	ssyncset.done $0x0  }
0x1e: {  	[sflag:s15] =	ssyncadd.s32 $0xFFFFC000  }
0x1f: {  	[spmem:s8] =	stream.linear.scatter [tilespmem:s14], [sflag:$0x2], $0x4000, $0x38;
	[tilespmem:$0x18100] =	vst v63  }
0x20: {  	_ =	swait.ge [sflag:s15], $0x4000  }
0x21: {  	[sflag:s15] =	ssyncset.done $0x0  }
0x22: {  	[sflag:s15] =	ssyncadd.s32 $0xFFFFC000  }
0x23: {  	[spmem:s9] =	stream.linear.scatter [tilespmem:s14], [sflag:$0x2], $0x4000, $0x38;
	[tilespmem:$0x18100] =	vst v63  }
0x24: {  	_ =	swait.ge [sflag:s15], $0x4000  }
0x25: {  	[sflag:s15] =	ssyncset.done $0x0  }
0x26: {  	[sflag:s15] =	ssyncadd.s32 $0xFFFFC000  }
0x27: {  	[spmem:s10] =	stream.linear.scatter [tilespmem:s14], [sflag:$0x2], $0x4000, $0x38;
	[tilespmem:$0x18100] =	vst v63  }
0x28: {  	_ =	swait.ge [sflag:s15], $0x4000  }
0x29: {  	[sflag:s15] =	ssyncset.done $0x0  }
0x2a: {  	[sflag:s15] =	ssyncadd.s32 $0xFFFFC000  }
0x2b: {  	[spmem:s11] =	stream.linear.scatter [tilespmem:s14], [sflag:$0x2], $0x4000, $0x38;
	[tilespmem:$0x18100] =	vst v63  }
0x2c: {  	_ =	swait.ge [sflag:s15], $0x4000  }
0x2d: {  	[sflag:s15] =	ssyncset.done $0x0  }
0x2e: {  	[sflag:s15] =	ssyncadd.s32 $0xFFFFC000  }
0x2f: {  	s21 =	sadd.s32 $0x0, s13;
	[bflag:$0x0] =	sbarrier.arrive $0xFFFF  }
0x30: {  	[tilespmem:s16], [sflag:$0x2] =	stream.linear.gather [hbm4b:s21+s3], $0x80, $0x38;
	[tilespmem:$0x18100] =	vst v63  }
0x31: {  	_ =	swait.ge [sflag:s15], $0x80  }
0x32: {  	[sflag:s15] =	ssyncset.done $0x0  }
0x33: {  	s31 =	sadd.s32 $0x0, s12;
	[sflag:s15] =	ssyncadd.s32 $0xFFFFFF80  }
0x34: {  	[tilespmem:s17], [sflag:$0x2] =	stream.linear.gather [hbm4b:s31+s3], $0x80, $0x38;
	[tilespmem:$0x18100] =	vst v63  }
0x35: {  	_ =	swait.ge [sflag:s15], $0x80  }
0x36: {  	[sflag:s15] =	ssyncset.done $0x0  }
0x37: {  	[sflag:s15] =	ssyncadd.s32 $0xFFFFFF80  }
0x38: {  	[tilespmem:s14], [sflag:$0x1] =	stream.indirect.gather [hbm4b:s4+s18], $0x80, s16, s18, $0xb8;
	[tilespmem:$0x18100] =	vst v63  }
0x39: {  	_ =	swait.ge [sflag:s19], $0x4000  }
0x3a: {  	[sflag:s19] =	ssyncset.done $0x0  }
0x3b: {  	[sflag:s19] =	ssyncadd.s32 $0xFFFFC000  }
0x3c: {  	[spmem:s2] =	stream.indirect.scatter.add.f32 [tilespmem:s14], [sflag:$0x2], $0x80, s17, s18, $0xb8;
	[tilespmem:$0x18100] =	vst v63  }
0x3d: {  	_ =	swait.ge [sflag:s15], $0x4000  }
0x3e: {  	s22 =	simm.s32 $0x20;
	s21 =	simm.s32 $0x10;
	[sflag:s15] =	ssyncset.done $0x0  }
.LBB2_4:
0x3f: {  	s23 =	sadd.s32 s21, s13  }
0x40: {  	[sflag:s15] =	ssyncadd.s32 $0xFFFFC000;
	s24 =	smov.u32 s22;
	s25 =	sadd.s32 $0x10, s22  }
0x41: {  	[tilespmem:s16], [sflag:$0x2] =	stream.linear.gather [hbm4b:s23+s3], $0x80, $0x38;
	[tilespmem:$0x18100] =	vst v63  }
0x42: {  	p0 =	sne.s32 s22, $0x4F0;
	_ =	swait.ge [sflag:s15], $0x80  }
0x43: {  	[sflag:s15] =	ssyncset.done $0x0  }
0x44: {  	s22 =	sadd.s32 s21, s12;
	s21 =	smov.u32 s24;
	[sflag:s15] =	ssyncadd.s32 $0xFFFFFF80  }
0x45: {  	[tilespmem:s17], [sflag:$0x2] =	stream.linear.gather [hbm4b:s22+s3], $0x80, $0x38;
	[tilespmem:$0x18100] =	vst v63  }
0x46: {  	_ =	swait.ge [sflag:s15], $0x80  }
0x47: {  	[sflag:s15] =	ssyncset.done $0x0  }
0x48: {  	[sflag:s15] =	ssyncadd.s32 $0xFFFFFF80  }
0x49: {  	[tilespmem:s14], [sflag:$0x1] =	stream.indirect.gather [hbm4b:s4+s18], $0x80, s16, s18, $0xb8;
	[tilespmem:$0x18100] =	vst v63  }
0x4a: {  	_ =	swait.ge [sflag:s19], $0x4000  }
.Ltmp1:
0x4b: {  	[sflag:s19] =	ssyncset.done $0x0;
	(pc) =	sbr.rel @p0 .LBB2_4-.Ltmp1, $4  }
0x4c: {  	[sflag:s19] =	ssyncadd.s32 $0xFFFFC000  }
0x4d: {  	[spmem:s2] =	stream.indirect.scatter.add.f32 [tilespmem:s14], [sflag:$0x2], $0x80, s17, s18, $0xb8;
	[tilespmem:$0x18100] =	vst v63  }
0x4e: {  	_ =	swait.ge [sflag:s15], $0x4000  }
0x4f: {  	s22 =	smov.u32 s25;
	[sflag:s15] =	ssyncset.done $0x0  }
0x50: {  	s22 =	sadd.s32 s21, s13;
	[sflag:s15] =	ssyncadd.s32 $0xFFFFC000  }
0x51: {  	[tilespmem:s16], [sflag:$0x2] =	stream.linear.gather [hbm4b:s22+s3], $0x80, $0x38;
	[tilespmem:$0x18100] =	vst v63  }
0x52: {  	_ =	swait.ge [sflag:s15], $0x80  }
0x53: {  	[sflag:s15] =	ssyncset.done $0x0  }
0x54: {  	s29 =	sadd.s32 s21, s12;
	[sflag:s15] =	ssyncadd.s32 $0xFFFFFF80  }
0x55: {  	[tilespmem:s17], [sflag:$0x2] =	stream.linear.gather [hbm4b:s29+s3], $0x80, $0x38;
	[tilespmem:$0x18100] =	vst v63  }
0x56: {  	_ =	swait.ge [sflag:s15], $0x80  }
0x57: {  	[sflag:s15] =	ssyncset.done $0x0  }
0x58: {  	[sflag:s15] =	ssyncadd.s32 $0xFFFFFF80  }
0x59: {  	[tilespmem:s14], [sflag:$0x1] =	stream.indirect.gather [hbm4b:s4+s18], $0x80, s16, s18, $0xb8;
	[tilespmem:$0x18100] =	vst v63  }
0x5a: {  	_ =	swait.ge [sflag:s19], $0x4000  }
0x5b: {  	[sflag:s19] =	ssyncset.done $0x0  }
0x5c: {  	[sflag:s19] =	ssyncadd.s32 $0xFFFFC000  }
0x5d: {  	[spmem:s2] =	stream.indirect.scatter.add.f32 [tilespmem:s14], [sflag:$0x2], $0x80, s17, s18, $0xb8;
	[tilespmem:$0x18100] =	vst v63  }
0x5e: {  	_ =	swait.ge [sflag:s15], $0x4000  }
0x5f: {  	s30 =	sshll.u32 s0, $0x6;
	s20 =	sadd.s32 $0x1, s20;
	[sflag:s15] =	ssyncset.done $0x0  }
0x60: {  	s31 =	sshrl.u32 s5, $0x3;
	p0 =	sne.s32 s20, s7;
	[sflag:s15] =	ssyncadd.s32 $0xFFFFC000  }
.Ltmp2:
0x61: {  	s21 =	sor.u32 $0x1C02, s30;
	[bflag:$0x0] =	sbarrier.arrive $0xFFFF;
	(pc) =	sbr.rel @p0 .LBB2_1-.Ltmp2, $4  }
0x62: {  	[hbm:s6], [sflag:s21] =	dma.local [spmem:s31], $0x2800  }
0x63: {  	_ =	swait.ge [sflag:s15], $0x2800  }
0x64: {  	[sflag:s15] =	ssyncset.done $0x0  }
0x65: {  	[sflag:s15] =	ssyncadd.s32 $0xFFFFD800  }
0x66: {  	_ =	sfence.sel $0x180000  }
0x67: {  	[bflag:$0x0] =	sbarrier.arrive $0xFFFF  }
0x68: {  	p0 =	sne.s32 s0, $0x0;
	_ =	strace $0x9000004A  }
0x69: {  	s0 =	sadd.s32 @!p0 $0x100000, s1;
	[bflag:$0x2] =	sbarrier.arrive $0xFFFF  }
0x6a: {  	[sflag:s0] =	ssyncadd.tile.s32 @!p0 $0x1;
	_ =	shalt  }
.Lfunc_end2:
_tile_overlayer_lowered:
.L_overlay_start_2:
0x6b: {  	(tag) =	ssettag $0x2  }
0x6c: {  	s0 =	rddreg [dreg:$0x0];
	s2 =	stileid.u32  }
0x6d: {  	s1 =	rddreg [dreg:$0x1];
	p0 =	sne.s32 s2, $0x0  }
0x6e: {  	s3 =	rddreg [dreg:$0x2];
	[bflag:$0x3] =	sbarrier.arrive $0xFFFF;
	s2 =	simm.s32 @!p0 $0x1C02  }
0x6f: {  	[timem:s3], [sflag:s2] =	dma.local @!p0 [hbm:s0], s1  }
0x70: {  	s0 =	simm.s32 @!p0 $0x2  }
0x71: {  	_ =	swait.ge @!p0 [sflag:s0], s1  }
0x72: {  	s1 =	ssub.s32 @!p0 $0x0, s1;
	[sflag:s0] =	ssyncset.done @!p0 $0x0  }
0x73: {  	[sflag:s0] =	ssyncadd.s32 @!p0 s1  }
0x74: {  	[bflag:$0x3] =	sbarrier.arrive $0xFFFF  }
0x75: {  	_ =	shalt  }

</sc_bundles>
